<compile_context>
chip_gen: v7x
topology: tpu7x:2x2x1
jax: 0.10.2.dev20260603
libtpu: 0.0.44.dev20260713+nightly
codegen_flags: <defaults>
</compile_context>

<pallas_src>
import functools

import jax
import jax.numpy as jnp
from jax.experimental import pallas as pl


def _gather_kernel(ids_ref, table_ref, out_ref):
    ids = ids_ref[0]
    v = table_ref.shape[0]
    iota = jax.lax.broadcasted_iota(jnp.int32, (ids.shape[0], v), 1)
    onehot = (ids == iota).astype(jnp.float32)
    out_ref[...] = jnp.dot(onehot, table_ref[...],
                           preferred_element_type=jnp.float32
                           ).astype(jnp.bfloat16)


def _conv_highway_kernel(x_ref, wstack_ref, cb_ref, wp_ref, bp_ref,
                         wg_ref, bg_ref, out_ref, *, kk, tt):
    nb, maxw, e = x_ref.shape
    xm = x_ref[...].reshape(nb * maxw, e)
    acc = jnp.zeros((nb, tt, e), jnp.float32)
    for k in range(kk):
        q = jnp.dot(xm, wstack_ref[k],
                    preferred_element_type=jnp.float32).reshape(nb, maxw, e)
        acc = acc + q[:, k:k + tt, :]
    conv = jnp.maximum(acc + cb_ref[0][None, None, :], 0.0)
    cnn = jnp.max(conv, axis=1)
    proj = jnp.maximum(
        jnp.dot(cnn, wp_ref[...], preferred_element_type=jnp.float32)
        + bp_ref[0][None, :], 0.0)
    gate = jax.nn.sigmoid(
        jnp.dot(cnn, wg_ref[...], preferred_element_type=jnp.float32)
        + bg_ref[0][None, :])
    out_ref[...] = gate * proj + (1.0 - gate) * cnn


def kernel(input_tensor, emb_table, conv_w, conv_b, w_proj, b_proj,
           w_gate, b_gate):
    s, b, maxw = input_tensor.shape
    v, e = emb_table.shape
    kk = conv_w.shape[2]
    n = s * b
    tt = maxw - kk + 1

    ids = input_tensor.astype(jnp.int32).reshape(-1)
    rows = ids.shape[0]
    gblocks = 32
    r = rows // gblocks
    ids3 = ids.reshape(gblocks, r, 1)

    y = pl.pallas_call(
        _gather_kernel,
        grid=(gblocks,),
        in_specs=[
            pl.BlockSpec((1, r, 1), lambda i: (i, 0, 0)),
            pl.BlockSpec((v, e), lambda i: (0, 0)),
        ],
        out_specs=pl.BlockSpec((r, e), lambda i: (i, 0)),
        out_shape=jax.ShapeDtypeStruct((rows, e), jnp.bfloat16),
    )(ids3, emb_table)

    p = y.reshape(n, e, maxw).transpose(0, 2, 1)

    wstack = conv_w.transpose(2, 1, 0).astype(jnp.bfloat16)
    cb2 = conv_b.reshape(1, e)
    bp2 = b_proj.reshape(1, e)
    bg2 = b_gate.reshape(1, e)
    wpt = w_proj.T
    wgt = w_gate.T

    nb = 256
    nblocks = n // nb
    out = pl.pallas_call(
        functools.partial(_conv_highway_kernel, kk=kk, tt=tt),
        grid=(nblocks,),
        in_specs=[
            pl.BlockSpec((nb, maxw, e), lambda i: (i, 0, 0)),
            pl.BlockSpec((kk, e, e), lambda i: (0, 0, 0)),
            pl.BlockSpec((1, e), lambda i: (0, 0)),
            pl.BlockSpec((e, e), lambda i: (0, 0)),
            pl.BlockSpec((1, e), lambda i: (0, 0)),
            pl.BlockSpec((e, e), lambda i: (0, 0)),
            pl.BlockSpec((1, e), lambda i: (0, 0)),
        ],
        out_specs=pl.BlockSpec((nb, e), lambda i: (i, 0)),
        out_shape=jax.ShapeDtypeStruct((n, e), jnp.float32),
    )(p, wstack, cb2, wpt, bp2, wgt, bg2)

    return out.reshape(s, b, e)

# --- scband reference (transcript-rebuilt; emitter-appended) ---
"""Pipeline reference for scband-model-embeddings-88699664597207 (READ-ONLY COPY).

The authoritative reference and input builder live on the scoring server;
editing this copy changes nothing except your own understanding.
"""

import jax, jax.numpy as jnp
import numpy as np

S, B, MAXW = 64, 64, 21
E = 256          # embed_size == n_filters
K = 5            # kernel_size
VCHAR = 96       # len(vocab.char2id)
PAD = 0          # vocab.char2id['<pad>']


def setup_inputs(seed: int = 0) -> dict:
    key = jax.random.key(seed)
    k1, k2, k3, k4, k5, k6, k7, k8 = jax.random.split(key, 8)
    input_tensor = jax.random.randint(k1, (S, B, MAXW), 0, VCHAR, dtype=jnp.int64 if jax.config.jax_enable_x64 else jnp.int32)
    emb_table = jax.random.normal(k2, (VCHAR, E), jnp.float32) * 0.1
    emb_table = emb_table.at[PAD].set(0.0)  # padding_idx row is zero
    conv_w = jax.random.normal(k3, (E, E, K), jnp.float32) * (1.0 / np.sqrt(E * K))
    conv_b = jax.random.normal(k4, (E,), jnp.float32) * 0.01
    w_proj = jax.random.normal(k5, (E, E), jnp.float32) * (1.0 / np.sqrt(E))
    b_proj = jax.random.normal(k6, (E,), jnp.float32) * 0.01
    w_gate = jax.random.normal(k7, (E, E), jnp.float32) * (1.0 / np.sqrt(E))
    b_gate = jax.random.normal(k8, (E,), jnp.float32) * 0.01
    return {
        "input_tensor": input_tensor,
        "emb_table": emb_table,
        "conv_w": conv_w,
        "conv_b": conv_b,
        "w_proj": w_proj,
        "b_proj": b_proj,
        "w_gate": w_gate,
        "b_gate": b_gate,
    }


def reference(input_tensor, emb_table, conv_w, conv_b, w_proj, b_proj, w_gate, b_gate):
    # char embedding lookup (gather)
    sents_embeds = jnp.take(emb_table, input_tensor, axis=0)  # [S, B, MAXW, E]
    s, b, maxw, e = sents_embeds.shape
    # NOTE: faithful to the original module: it computes a permute but then
    # overwrites it with a raw reshape of sents_embeds (reinterpretation of memory).
    embeds = sents_embeds.reshape(s * b, e, maxw)  # [S*B, E, MAXW]
    # CNN: Conv1d(E -> E, kernel=K), relu, max-pool over time
    conv = jax.lax.conv_general_dilated(
        embeds, conv_w,
        window_strides=(1,), padding='VALID',
        dimension_numbers=('NCH', 'OIH', 'NCH'))  # [S*B, E, MAXW-K+1]
    conv = conv + conv_b[None, :, None]
    conv = jax.nn.relu(conv)
    cnn_out = jnp.max(conv, axis=-1)  # [S*B, E]
    # Highway: gate * relu(proj(x)) + (1-gate) * x
    proj = jax.nn.relu(cnn_out @ w_proj.T + b_proj)
    gate = jax.nn.sigmoid(cnn_out @ w_gate.T + b_gate)
    highway_out = gate * proj + (1.0 - gate) * cnn_out
    # dropout: eval mode -> identity
    x_word_emb = highway_out.reshape(s, b, -1)  # [S, B, E]
    return x_word_emb

if __name__ == "__main__":
    import jax
    _d = setup_inputs()
    print(jax.jit(kernel)(*tuple(_d.values())))

</pallas_src>

<mosaic_0001>
module attributes {stable_mosaic.version = 14 : i64} {
  func.func @_gather_kernel(%arg0: i32, %arg1: memref<1x2688x1xi32, #tpu.memory_space<vmem>>, %arg2: memref<96x256xf32, #tpu.memory_space<vmem>>, %arg3: memref<2688x256xbf16, #tpu.memory_space<vmem>>) attributes {dimension_semantics = [#tpu.dimension_semantics<arbitrary>], iteration_bounds = array<i64: 32>, scalar_prefetch = 0 : i64, scratch_operands = 0 : i64, tpu.core_type = #tpu.core_type<tc>, window_params = [{transform_indices = @transform_0, window_bounds = array<i64: 1, 2688, 1>}, {pipeline_mode = #tpu.pipeline_mode<synchronous>, transform_indices = @transform_1, window_bounds = array<i64: 96, 256>}, {transform_indices = @transform_2, window_bounds = array<i64: 2688, 256>}]} {
    %get3A = arith.constant 0 : index
    %get3A_0 = arith.constant 0 : index
    %get3A_1 = arith.constant 0 : index
    %get3A_2 = vector.load %arg1[%get3A, %get3A_0, %get3A_1] : memref<1x2688x1xi32, #tpu.memory_space<vmem>>, vector<1x2688x1xi32>
    %get3A_3 = vector.shape_cast %get3A_2 : vector<1x2688x1xi32> to vector<2688x1xi32>
    %iota3A = tpu.iota {dimensions = array<i32: 1>} : vector<2688x96xi32>
    %eq3A = vector.broadcast %get3A_3 : vector<2688x1xi32> to vector<2688x96xi32>
    %eq3A_4 = arith.cmpi eq, %eq3A, %iota3A : vector<2688x96xi32>
    %convert_element_type3A = arith.extui %eq3A_4 : vector<2688x96xi1> to vector<2688x96xi32>
    %convert_element_type3A_5 = arith.sitofp %convert_element_type3A : vector<2688x96xi32> to vector<2688x96xf32>
    %get3A_6 = arith.constant 0 : index
    %get3A_7 = arith.constant 0 : index
    %get3A_8 = vector.load %arg2[%get3A_6, %get3A_7] : memref<96x256xf32, #tpu.memory_space<vmem>>, vector<96x256xf32>
    %dot_general3A = arith.constant dense<0.000000e+00> : vector<2688x256xf32>
    %dot_general3A_9 = tpu.matmul %convert_element_type3A_5, %get3A_8, %dot_general3A {dimension_numbers = #tpu.dot_dimension_numbers<[1], [0], [0], [1], [0, 0, 1, 1], [], []>, transpose_lhs_hint = false} : vector<2688x96xf32>, vector<96x256xf32>, vector<2688x256xf32> -> vector<2688x256xf32>
    %convert_element_type3A_10 = arith.truncf %dot_general3A_9 : vector<2688x256xf32> to vector<2688x256xbf16>
    %swap3A = arith.constant 0 : index
    %swap3A_11 = arith.constant 0 : index
    %swap3A_12 = vector.load %arg3[%swap3A, %swap3A_11] : memref<2688x256xbf16, #tpu.memory_space<vmem>>, vector<2688x256xbf16>
    tpu.vector_store %arg3[%swap3A, %swap3A_11], %convert_element_type3A_10 {strides = array<i32>} : memref<2688x256xbf16, #tpu.memory_space<vmem>>, vector<2688x256xbf16>,
    return
  }
  func.func @transform_0(%arg0: i32) -> (i32, i32, i32) {
    %c0_i32 = arith.constant 0 : i32
    %c0_i32_0 = arith.constant 0 : i32
    %c0_i32_1 = arith.constant 0 : i32
    return %arg0, %c0_i32, %c0_i32_0 : i32, i32, i32
  }
  func.func @transform_1(%arg0: i32) -> (i32, i32) {
    %c0_i32 = arith.constant 0 : i32
    %c0_i32_0 = arith.constant 0 : i32
    %c0_i32_1 = arith.constant 0 : i32
    return %c0_i32, %c0_i32_0 : i32, i32
  }
  func.func @transform_2(%arg0: i32) -> (i32, i32) {
    %c0_i32 = arith.constant 0 : i32
    %c0_i32_0 = arith.constant 0 : i32
    return %arg0, %c0_i32 : i32, i32
  }
}

module attributes {stable_mosaic.version = 14 : i64} {
  func.func @_conv_highway_kernel(%arg0: i32, %arg1: memref<256x21x256xbf16, #tpu.memory_space<vmem>>, %arg2: memref<5x256x256xbf16, #tpu.memory_space<vmem>>, %arg3: memref<1x256xf32, #tpu.memory_space<vmem>>, %arg4: memref<256x256xf32, #tpu.memory_space<vmem>>, %arg5: memref<1x256xf32, #tpu.memory_space<vmem>>, %arg6: memref<256x256xf32, #tpu.memory_space<vmem>>, %arg7: memref<1x256xf32, #tpu.memory_space<vmem>>, %arg8: memref<256x256xf32, #tpu.memory_space<vmem>>) attributes {dimension_semantics = [#tpu.dimension_semantics<arbitrary>], iteration_bounds = array<i64: 16>, scalar_prefetch = 0 : i64, scratch_operands = 0 : i64, tpu.core_type = #tpu.core_type<tc>, window_params = [{transform_indices = @transform_0, window_bounds = array<i64: 256, 21, 256>}, {pipeline_mode = #tpu.pipeline_mode<synchronous>, transform_indices = @transform_1, window_bounds = array<i64: 5, 256, 256>}, {pipeline_mode = #tpu.pipeline_mode<synchronous>, transform_indices = @transform_2, window_bounds = array<i64: 1, 256>}, {pipeline_mode = #tpu.pipeline_mode<synchronous>, transform_indices = @transform_3, window_bounds = array<i64: 256, 256>}, {pipeline_mode = #tpu.pipeline_mode<synchronous>, transform_indices = @transform_4, window_bounds = array<i64: 1, 256>}, {pipeline_mode = #tpu.pipeline_mode<synchronous>, transform_indices = @transform_5, window_bounds = array<i64: 256, 256>}, {pipeline_mode = #tpu.pipeline_mode<synchronous>, transform_indices = @transform_6, window_bounds = array<i64: 1, 256>}, {transform_indices = @transform_7, window_bounds = array<i64: 256, 256>}]} {
    %get3A = arith.constant 0 : index
    %get3A_0 = arith.constant 0 : index
    %get3A_1 = arith.constant 0 : index
    %get3A_2 = vector.load %arg1[%get3A, %get3A_0, %get3A_1] : memref<256x21x256xbf16, #tpu.memory_space<vmem>>, vector<256x21x256xbf16>
    %reshape3A = vector.shape_cast %get3A_2 : vector<256x21x256xbf16> to vector<5376x256xbf16>
    %broadcast_in_dim3A = arith.constant 0.000000e+00 : f32
    %broadcast_in_dim3A_3 = vector.broadcast %broadcast_in_dim3A : f32 to vector<256x17x256xf32>
    %get3A_4 = arith.constant 0 : index
    %get3A_5 = arith.constant 0 : index
    %get3A_6 = arith.constant 0 : index
    %get3A_7 = vector.load %arg2[%get3A_4, %get3A_5, %get3A_6] : memref<5x256x256xbf16, #tpu.memory_space<vmem>>, vector<1x256x256xbf16>
    %get3A_8 = vector.shape_cast %get3A_7 : vector<1x256x256xbf16> to vector<256x256xbf16>
    %dot_general3A = arith.constant dense<0.000000e+00> : vector<5376x256xf32>
    %dot_general3A_9 = tpu.matmul %reshape3A, %get3A_8, %dot_general3A {dimension_numbers = #tpu.dot_dimension_numbers<[1], [0], [0], [1], [0, 0, 1, 1], [], []>, transpose_lhs_hint = false} : vector<5376x256xbf16>, vector<256x256xbf16>, vector<5376x256xf32> -> vector<5376x256xf32>
    %reshape3A_10 = vector.shape_cast %dot_general3A_9 : vector<5376x256xf32> to vector<256x21x256xf32>
    %slice3A = vector.extract_strided_slice %reshape3A_10 {offsets = [0, 0, 0], sizes = [256, 17, 256], strides = [1, 1, 1]} : vector<256x21x256xf32> to vector<256x17x256xf32>
    %add3A = arith.addf %broadcast_in_dim3A_3, %slice3A : vector<256x17x256xf32>
    %get3A_11 = arith.constant 1 : index
    %get3A_12 = arith.constant 0 : index
    %get3A_13 = arith.constant 0 : index
    %get3A_14 = vector.load %arg2[%get3A_11, %get3A_12, %get3A_13] : memref<5x256x256xbf16, #tpu.memory_space<vmem>>, vector<1x256x256xbf16>
    %get3A_15 = vector.shape_cast %get3A_14 : vector<1x256x256xbf16> to vector<256x256xbf16>
    %dot_general3A_16 = arith.constant dense<0.000000e+00> : vector<5376x256xf32>
    %dot_general3A_17 = tpu.matmul %reshape3A, %get3A_15, %dot_general3A_16 {dimension_numbers = #tpu.dot_dimension_numbers<[1], [0], [0], [1], [0, 0, 1, 1], [], []>, transpose_lhs_hint = false} : vector<5376x256xbf16>, vector<256x256xbf16>, vector<5376x256xf32> -> vector<5376x256xf32>
    %reshape3A_18 = vector.shape_cast %dot_general3A_17 : vector<5376x256xf32> to vector<256x21x256xf32>
    %slice3A_19 = vector.extract_strided_slice %reshape3A_18 {offsets = [0, 1, 0], sizes = [256, 17, 256], strides = [1, 1, 1]} : vector<256x21x256xf32> to vector<256x17x256xf32>
    %add3A_20 = arith.addf %add3A, %slice3A_19 : vector<256x17x256xf32>
    %get3A_21 = arith.constant 2 : index
    %get3A_22 = arith.constant 0 : index
    %get3A_23 = arith.constant 0 : index
    %get3A_24 = vector.load %arg2[%get3A_21, %get3A_22, %get3A_23] : memref<5x256x256xbf16, #tpu.memory_space<vmem>>, vector<1x256x256xbf16>
    %get3A_25 = vector.shape_cast %get3A_24 : vector<1x256x256xbf16> to vector<256x256xbf16>
    %dot_general3A_26 = arith.constant dense<0.000000e+00> : vector<5376x256xf32>
    %dot_general3A_27 = tpu.matmul %reshape3A, %get3A_25, %dot_general3A_26 {dimension_numbers = #tpu.dot_dimension_numbers<[1], [0], [0], [1], [0, 0, 1, 1], [], []>, transpose_lhs_hint = false} : vector<5376x256xbf16>, vector<256x256xbf16>, vector<5376x256xf32> -> vector<5376x256xf32>
    %reshape3A_28 = vector.shape_cast %dot_general3A_27 : vector<5376x256xf32> to vector<256x21x256xf32>
    %slice3A_29 = vector.extract_strided_slice %reshape3A_28 {offsets = [0, 2, 0], sizes = [256, 17, 256], strides = [1, 1, 1]} : vector<256x21x256xf32> to vector<256x17x256xf32>
    %add3A_30 = arith.addf %add3A_20, %slice3A_29 : vector<256x17x256xf32>
    %get3A_31 = arith.constant 3 : index
    %get3A_32 = arith.constant 0 : index
    %get3A_33 = arith.constant 0 : index
    %get3A_34 = vector.load %arg2[%get3A_31, %get3A_32, %get3A_33] : memref<5x256x256xbf16, #tpu.memory_space<vmem>>, vector<1x256x256xbf16>
    %get3A_35 = vector.shape_cast %get3A_34 : vector<1x256x256xbf16> to vector<256x256xbf16>
    %dot_general3A_36 = arith.constant dense<0.000000e+00> : vector<5376x256xf32>
    %dot_general3A_37 = tpu.matmul %reshape3A, %get3A_35, %dot_general3A_36 {dimension_numbers = #tpu.dot_dimension_numbers<[1], [0], [0], [1], [0, 0, 1, 1], [], []>, transpose_lhs_hint = false} : vector<5376x256xbf16>, vector<256x256xbf16>, vector<5376x256xf32> -> vector<5376x256xf32>
    %reshape3A_38 = vector.shape_cast %dot_general3A_37 : vector<5376x256xf32> to vector<256x21x256xf32>
    %slice3A_39 = vector.extract_strided_slice %reshape3A_38 {offsets = [0, 3, 0], sizes = [256, 17, 256], strides = [1, 1, 1]} : vector<256x21x256xf32> to vector<256x17x256xf32>
    %add3A_40 = arith.addf %add3A_30, %slice3A_39 : vector<256x17x256xf32>
    %get3A_41 = arith.constant 4 : index
    %get3A_42 = arith.constant 0 : index
    %get3A_43 = arith.constant 0 : index
    %get3A_44 = vector.load %arg2[%get3A_41, %get3A_42, %get3A_43] : memref<5x256x256xbf16, #tpu.memory_space<vmem>>, vector<1x256x256xbf16>
    %get3A_45 = vector.shape_cast %get3A_44 : vector<1x256x256xbf16> to vector<256x256xbf16>
    %dot_general3A_46 = arith.constant dense<0.000000e+00> : vector<5376x256xf32>
    %dot_general3A_47 = tpu.matmul %reshape3A, %get3A_45, %dot_general3A_46 {dimension_numbers = #tpu.dot_dimension_numbers<[1], [0], [0], [1], [0, 0, 1, 1], [], []>, transpose_lhs_hint = false} : vector<5376x256xbf16>, vector<256x256xbf16>, vector<5376x256xf32> -> vector<5376x256xf32>
    %reshape3A_48 = vector.shape_cast %dot_general3A_47 : vector<5376x256xf32> to vector<256x21x256xf32>
    %slice3A_49 = vector.extract_strided_slice %reshape3A_48 {offsets = [0, 4, 0], sizes = [256, 17, 256], strides = [1, 1, 1]} : vector<256x21x256xf32> to vector<256x17x256xf32>
    %add3A_50 = arith.addf %add3A_40, %slice3A_49 : vector<256x17x256xf32>
    %get3A_51 = arith.constant 0 : index
    %get3A_52 = arith.constant 0 : index
    %get3A_53 = vector.load %arg3[%get3A_51, %get3A_52] : memref<1x256xf32, #tpu.memory_space<vmem>>, vector<1x256xf32>
    %get3A_54 = vector.shape_cast %get3A_53 : vector<1x256xf32> to vector<256xf32>
    %broadcast_in_dim3A_55 = vector.shape_cast %get3A_54 : vector<256xf32> to vector<1x1x256xf32>
    %add3A_56 = vector.broadcast %broadcast_in_dim3A_55 : vector<1x1x256xf32> to vector<256x17x256xf32>
    %add3A_57 = arith.addf %add3A_50, %add3A_56 : vector<256x17x256xf32>
    %max3A = arith.constant 0.000000e+00 : f32
    %max3A_58 = vector.broadcast %max3A : f32 to vector<256x17x256xf32>
    %max3A_59 = arith.maximumf %add3A_57, %max3A_58 : vector<256x17x256xf32>
    %reduce_max3A = arith.constant dense<0xFF800000> : vector<256x256xf32>
    %reduce_max3A_60 = vector.multi_reduction <maximumf>, %max3A_59, %reduce_max3A [1] : vector<256x17x256xf32> to vector<256x256xf32>
    %get3A_61 = arith.constant 0 : index
    %get3A_62 = arith.constant 0 : index
    %get3A_63 = vector.load %arg4[%get3A_61, %get3A_62] : memref<256x256xf32, #tpu.memory_space<vmem>>, vector<256x256xf32>
    %dot_general3A_64 = arith.constant dense<0.000000e+00> : vector<256x256xf32>
    %dot_general3A_65 = tpu.matmul %reduce_max3A_60, %get3A_63, %dot_general3A_64 {dimension_numbers = #tpu.dot_dimension_numbers<[1], [0], [0], [1], [0, 0, 1, 1], [], []>, transpose_lhs_hint = false} : vector<256x256xf32>, vector<256x256xf32>, vector<256x256xf32> -> vector<256x256xf32>
    %get3A_66 = arith.constant 0 : index
    %get3A_67 = arith.constant 0 : index
    %get3A_68 = vector.load %arg5[%get3A_66, %get3A_67] : memref<1x256xf32, #tpu.memory_space<vmem>>, vector<1x256xf32>
    %get3A_69 = vector.shape_cast %get3A_68 : vector<1x256xf32> to vector<256xf32>
    %broadcast_in_dim3A_70 = vector.shape_cast %get3A_69 : vector<256xf32> to vector<1x256xf32>
    %add3A_71 = vector.broadcast %broadcast_in_dim3A_70 : vector<1x256xf32> to vector<256x256xf32>
    %add3A_72 = arith.addf %dot_general3A_65, %add3A_71 : vector<256x256xf32>
    %max3A_73 = arith.constant 0.000000e+00 : f32
    %max3A_74 = vector.broadcast %max3A_73 : f32 to vector<256x256xf32>
    %max3A_75 = arith.maximumf %add3A_72, %max3A_74 : vector<256x256xf32>
    %get3A_76 = arith.constant 0 : index
    %get3A_77 = arith.constant 0 : index
    %get3A_78 = vector.load %arg6[%get3A_76, %get3A_77] : memref<256x256xf32, #tpu.memory_space<vmem>>, vector<256x256xf32>
    %dot_general3A_79 = arith.constant dense<0.000000e+00> : vector<256x256xf32>
    %dot_general3A_80 = tpu.matmul %reduce_max3A_60, %get3A_78, %dot_general3A_79 {dimension_numbers = #tpu.dot_dimension_numbers<[1], [0], [0], [1], [0, 0, 1, 1], [], []>, transpose_lhs_hint = false} : vector<256x256xf32>, vector<256x256xf32>, vector<256x256xf32> -> vector<256x256xf32>
    %get3A_81 = arith.constant 0 : index
    %get3A_82 = arith.constant 0 : index
    %get3A_83 = vector.load %arg7[%get3A_81, %get3A_82] : memref<1x256xf32, #tpu.memory_space<vmem>>, vector<1x256xf32>
    %get3A_84 = vector.shape_cast %get3A_83 : vector<1x256xf32> to vector<256xf32>
    %broadcast_in_dim3A_85 = vector.shape_cast %get3A_84 : vector<256xf32> to vector<1x256xf32>
    %add3A_86 = vector.broadcast %broadcast_in_dim3A_85 : vector<1x256xf32> to vector<256x256xf32>
    %add3A_87 = arith.addf %dot_general3A_80, %add3A_86 : vector<256x256xf32>
    %logistic3A = arith.negf %add3A_87 : vector<256x256xf32>
    %logistic3A_88 = math.exp %logistic3A : vector<256x256xf32>
    %logistic3A_89 = arith.constant 1.000000e+00 : f32
    %logistic3A_90 = vector.broadcast %logistic3A_89 : f32 to vector<256x256xf32>
    %logistic3A_91 = arith.addf %logistic3A_90, %logistic3A_88 : vector<256x256xf32>
    %logistic3A_92 = arith.divf %logistic3A_90, %logistic3A_91 : vector<256x256xf32>
    %mul3A = arith.mulf %logistic3A_92, %max3A_75 : vector<256x256xf32>
    %sub3A = arith.constant 1.000000e+00 : f32
    %sub3A_93 = vector.broadcast %sub3A : f32 to vector<256x256xf32>
    %sub3A_94 = arith.subf %sub3A_93, %logistic3A_92 : vector<256x256xf32>
    %mul3A_95 = arith.mulf %sub3A_94, %reduce_max3A_60 : vector<256x256xf32>
    %add3A_96 = arith.addf %mul3A, %mul3A_95 : vector<256x256xf32>
    %swap3A = arith.constant 0 : index
    %swap3A_97 = arith.constant 0 : index
    %swap3A_98 = vector.load %arg8[%swap3A, %swap3A_97] : memref<256x256xf32, #tpu.memory_space<vmem>>, vector<256x256xf32>
    tpu.vector_store %arg8[%swap3A, %swap3A_97], %add3A_96 {strides = array<i32>} : memref<256x256xf32, #tpu.memory_space<vmem>>, vector<256x256xf32>,
    return
  }
  func.func @transform_0(%arg0: i32) -> (i32, i32, i32) {
    %c0_i32 = arith.constant 0 : i32
    %c0_i32_0 = arith.constant 0 : i32
    %c0_i32_1 = arith.constant 0 : i32
    return %arg0, %c0_i32, %c0_i32_0 : i32, i32, i32
  }
  func.func @transform_1(%arg0: i32) -> (i32, i32, i32) {
    %c0_i32 = arith.constant 0 : i32
    %c0_i32_0 = arith.constant 0 : i32
    %c0_i32_1 = arith.constant 0 : i32
    %c0_i32_2 = arith.constant 0 : i32
    return %c0_i32, %c0_i32_0, %c0_i32_1 : i32, i32, i32
  }
  func.func @transform_2(%arg0: i32) -> (i32, i32) {
    %c0_i32 = arith.constant 0 : i32
    %c0_i32_0 = arith.constant 0 : i32
    %c0_i32_1 = arith.constant 0 : i32
    return %c0_i32, %c0_i32_0 : i32, i32
  }
  func.func @transform_3(%arg0: i32) -> (i32, i32) {
    %c0_i32 = arith.constant 0 : i32
    %c0_i32_0 = arith.constant 0 : i32
    %c0_i32_1 = arith.constant 0 : i32
    return %c0_i32, %c0_i32_0 : i32, i32
  }
  func.func @transform_4(%arg0: i32) -> (i32, i32) {
    %c0_i32 = arith.constant 0 : i32
    %c0_i32_0 = arith.constant 0 : i32
    %c0_i32_1 = arith.constant 0 : i32
    return %c0_i32, %c0_i32_0 : i32, i32
  }
  func.func @transform_5(%arg0: i32) -> (i32, i32) {
    %c0_i32 = arith.constant 0 : i32
    %c0_i32_0 = arith.constant 0 : i32
    %c0_i32_1 = arith.constant 0 : i32
    return %c0_i32, %c0_i32_0 : i32, i32
  }
  func.func @transform_6(%arg0: i32) -> (i32, i32) {
    %c0_i32 = arith.constant 0 : i32
    %c0_i32_0 = arith.constant 0 : i32
    %c0_i32_1 = arith.constant 0 : i32
    return %c0_i32, %c0_i32_0 : i32, i32
  }
  func.func @transform_7(%arg0: i32) -> (i32, i32) {
    %c0_i32 = arith.constant 0 : i32
    %c0_i32_0 = arith.constant 0 : i32
    return %arg0, %c0_i32 : i32, i32
  }
}

</mosaic_0001>

<sc_bundles>
// kernel: sparse-core-data-format-call.cloned.1.call-start
scs
called_computation_lowered:
.L_overlay_start_0:
0x0: {  	s1 =	sld [smem:$0x3FD9]  }
0x1: {  	s2 =	sld [smem:$0x3FFE];
	_ =	sdelay $0x1  }
0x2: {  	s3 =	srdreg.scid  }
0x3: {  	s0 =	sand.u32 $0x1, s3  }
0x4: {  	s17 =	sshll.u32 s0, $0xA;
	s1 =	sadd.s32 s2, s1  }
0x5: {  	s1 =	sadd.s32 s1, s17  }
0x6: {  	[smem:$0x3FC0] =	sst s1  }
0x7: {  	_ = 	snop  }
0x8: {  	(tm) =	ssettm $0x1  }
0x9: {  	s18 =	sld [smem:$0x3FFB];
	_ =	sdelay $0x3  }
0xa: {  	_ =	strace s18  }
0xb: {  	s1 =	sld [smem:$0x3FFC];
	_ =	sdelay $0x3  }
0xc: {  	_ =	strace s1  }
0xd: {  	s1 =	sld [smem:$0x3FFD];
	_ =	sdelay $0x3  }
0xe: {  	_ =	strace s1  }
0xf: {  	_ =	strace $0x8FFFFFFF  }
0x10: {  	s19 =	sld [smem:$0x3FDB];
	_ =	sdelay $0x1  }
0x11: {  	s20 =	simm.s32 $_scs_section_size  }
0x12: {  	s4 =	simm.s32 $_size__tile_overlayer_lowered;
	s5 =	simm.s32 $_tile_overlayer_lowered  }
0x13: {  	s23 =	simm.s32 $0x1BFF;
	s22 =	sshll.u32 s5, $0x1;
	s1 =	sadd.s32 s20, s19  }
0x14: {  	s6 =	simm.s32 $0x0;
	s21 =	sshll.u32 s4, $0x1;
	s4 =	sadd.s32 s22, s1  }
0x15: {  	[timem:s6], [sflag:s23] =	dma.local [hbm:s4], s21  }
0x16: {  	_ =	swait.ge [sflag:s23], s21  }
0x17: {  	s2 =	ssub.s32 $0x0, s21;
	[sflag:s23] =	ssyncset.done $0x0  }
0x18: {  	[sflag:s23] =	ssyncadd.s32 s2;
	_ =	sdelay $0x1  }
0x19: {  	s24 =	simm.s32 $0x1B8B  }
0x1a: {  	_ =	swait.ge [sflag:s24], $0x1  }
0x1b: {  	[sflag:s24] =	ssyncset.done $0x0  }
0x1c: {  	s26 =	simm.s32 $0x1B8E;
	s25 =	sld [smem:$0x3FFE];
	[sflag:s24] =	ssyncadd.s32 $0xFFFFFFFF  }
0x1d: {  	s27 =	simm.s32 $execute0_lowered;
	[smem:$0x3FD2] =	sst s26  }
0x1e: {  	s4 =	sshll.u32 s27, $0x1;
	_ =	strace $0x80000046;
	[dreg:$0x1] =	wrdreg $0xFFFFFFFF  }
0x1f: {  	s28 =	simm.s32 $_size_execute0_lowered;
	s1 =	sadd.s32 s1, s4;
	[dreg:$0x0] =	wrdreg $0x0  }
0x20: {  	s4 =	sshll.u32 s28, $0x1;
	[dreg:$0x2] =	wrdreg s1  }
0x21: {  	[dreg:$0x3] =	wrdreg s4  }
0x22: {  	[dreg:$0x4] =	wrdreg $0xC0  }
0x23: {  	_ =	task [dreg:s6], $0x5FFFF  }
0x24: {  	[dreg:$0x1] =	wrdreg $0xFFFFFFFF  }
0x25: {  	[dreg:$0x0] =	wrdreg $0x60  }
0x26: {  	[dreg:$0x2] =	wrdreg s25  }
0x27: {  	[dreg:$0x3] =	wrdreg $0x9  }
0x28: {  	_ =	task.clear_ibuf [dreg:s6], $0x4FFFF;
	_ =	strace $0x90000046  }
0x29: {  	s29 =	simm.s32 $0x9;
	_ =	strace $0x80000048  }
0x2a: {  	_ =	swait.ge [sflag:s29], $0x1  }
0x2b: {  	[sflag:s29] =	ssyncadd.s32 $0xFFFFFFFF  }
0x2c: {  	_ =	strace $0x90000048  }
0x2d: {  	_ =	sfence  }
0x2e: {  	s30 =	sld [smem:$0x0];
	_ =	sdelay $0x2  }
0x2f: {  	s31 =	sshll.u32 s3, $0xD;
	s3 =	sshrl.u32 s3, $0x2  }
0x30: {  	s2 =	sand.u32 $0x4000, s31;
	s1 =	sadd.s32 s3, s30  }
0x31: {  	s0 =	sor.u32 s2, s0;
	s1 =	sshll.u32 s1, $0x11  }
0x32: {  	s0 =	sor.u32 s1, s0  }
0x33: {  	s0 =	sadd.s32 $0x8F2B, s0  }
0x34: {  	[sflag:s0] =	ssyncadd.remote.s32 $0x1  }
0x35: {  	_ =	sfence.sel $0xFFFF  }
0x36: {  	[dreg:$0x0] =	wrdreg $0xFFFFFFFF;
	(pc) =	sbr.abs _section_cstart, $3  }
0x37: {  	[dreg:$0x1] =	wrdreg $0xFFFFFFFF  }
0x38: {  	_ =	task.clear_ibuf [dreg:s6], $0x2FFFF;
	_ =	strace $0x9FFFFFFF  }
0x39: {  	(tm) =	ssettm $0x7FFFFFFF  }
tec
execute0_lowered:
.L_overlay_start_1:
0x0: {  	(tag) =	ssettag $0x1  }
0x1: {  	s0 =	srdreg.scid  }
0x2: {  	s1 =	rddreg [dreg:$0x0];
	s2 =	stileid.u32;
	_ =	strace $0x80000047  }
0x3: {  	s5 =	simm.s32 $0x1;
	s23 =	simm.s32 $0x2;
	s30 =	simm.s32 $0x0  }
0x4: {  	s29 =	simm.s32 $0x0;
	s3 =	sadd.s32 $0x2A1200, s1;
	s22 =	sadd.s32 $0x1200, s1  }
0x5: {  	s31 =	simm.s32 $0x0;
	s6 =	sadd.s32 $0x2A1A00, s1;
	s26 =	sadd.s32 $0x2A2200, s1  }
0x6: {  	s28 =	simm.s32 $0x0;
	s8 =	sadd.s32 $0x2A2A00, s1;
	s9 =	sadd.s32 $0x2A3200, s1  }
0x7: {  	s0 =	sshll.u32 s0, $0x4;
	s10 =	sadd.s32 $0x2A3A00, s1;
	s11 =	sadd.s32 $0x2A4200, s1  }
0x8: {  	s12 =	sadd.s32 $0x2A4A00, s1;
	s13 =	sadd.s32 $0x2A5200, s1;
	s0 =	sand.u32 $0x10, s0  }
0x9: {  	s14 =	sadd.s32 $0x2A5A00, s1;
	s16 =	sadd.s32 $0x2A6200, s1;
	s0 =	sor.u32 s2, s0  }
0xa: {  	s17 =	sadd.s32 $0x2A6A00, s1;
	s18 =	sadd.s32 $0x2A7200, s1;
	s4 =	sshll.u32 s0, $0x4  }
0xb: {  	[sflag:s5] =	ssyncpa.u1 $0x0;
	s19 =	sadd.s32 $0x2A7A00, s1;
	s24 =	ssub.s32 $0x1000, s4  }
0xc: {  	s20 =	sadd.s32 $0x2A8200, s1;
	[dreg:$0x2] =	wrdreg s3;
	s2 =	sand.u32 $0x1F0, s24  }
0xd: {  	[dreg:$0x3] =	wrdreg s22;
	p0 =	sne.s32 s2, $0x0;
	s2 =	simm.s32 $0x1  }
.Ltmp0:
0xe: {  	s25 =	sshrl.u32 s24, $0x9;
	s2 =	simm.s32 @!p0 $0x0;
	(pc) =	sbr.rel .LBB1_1-.Ltmp0, $4  }
0xf: {  	s21 =	sadd.s32 $0x2A8A00, s1;
	[dreg:$0x4] =	wrdreg s6;
	s2 =	sadd.s32 s2, s25  }
0x10: {  	[dreg:$0x5] =	wrdreg s26;
	[sflag:s23] =	ssyncpa.u1 $0x0;
	s15 =	smul.u32 $0x6, s2  }
0x11: {  	s23 =	simm.s32 $0x80;
	s26 =	simm.s32 $0x0;
	s27 =	smov.u32 s4  }
0x12: {  	vm0 =	vmxor vm0, vm0;
	p0 =	por $0x0, $0x0;
	s25 =	simm.s32 $0x0;
	s22 =	sor.u32 $0x1, s15  }
.LBB1_9:
0x13: {  	s0 =	sadd.s32 $0x8, s25  }
0x14: {  	s1 =	sadd.s32 $0x80, s26;
	s2 =	smov.u32 s26;
	p2 =	sgt.s32 s0, $0x14  }
0x15: {  	s2 =	smov.u32 @p2 s1  }
0x16: {  	s3 =	sadd.s32 $0x200, s27;
	s6 =	smov.u32 s27;
	p3 =	sgt.s32 s2, $0xFF  }
0x17: {  	s6 =	smov.u32 @p3 s3  }
0x18: {  	s0 =	simm.s32 @p2 $0x0;
	p2 =	sgt.s32 s6, $0xFFF  }
0x19: {  	p1 =	slt.u32 s28, $0x2;
	s6 =	smov.u32 @p2 s4;
	p2 =	sne.s32 s28, s22  }
.Ltmp1:
0x1a: {  	s1 =	simm.s32 @!p1 $0x2;
	(pc) =	sbr.rel @!p2 .LBB1_10-.Ltmp1, $4  }
0x1b: {  	s30 =	smov.u32 s25;
	s29 =	smov.u32 s26;
	_ =	swait.ge @!p1 [sflag:s1], $0x2000  }
0x1c: {  	s31 =	smov.u32 s27;
	p0 =	por !p0, !p0;
	[sflag:s1] =	ssyncset.done @!p1 $0x0  }
0x1d: {  	s25 =	smov.u32 s0;
	s2 =	simm.s32 @p3 $0x0;
	[sflag:s1] =	ssyncadd.s32 @!p1 $0xFFFFE000  }
0x1e: {  	s26 =	smov.u32 s2;
	s28 =	sadd.s32 $0x1, s28;
	s27 =	smov.u32 s6  }
.LBB1_1:
0x1f: {  	p1 =	sge.u32 s28, s15  }
.Ltmp2:
0x20: {  	_ = 	snop;
	(pc) =	sbr.rel @p1 .LBB1_3-.Ltmp2, $1  }
0x21: {  	_ =	sdelay $0x3  }
0x22: {  	s0 =	sshll.u32 s26, $0x7;
	s1 =	sshll.u32 s25, $0x3  }
0x23: {  	s3 =	sshll.u32 s25, $0x1;
	s2 =	sand.u32 $0x7C00, s0;
	s1 =	sand.u32 $0x7C00, s1  }
0x24: {  	s7 =	rddreg [dreg:$0x2];
	s0 =	sand.u32 $0x300, s0;
	s1 =	sadd.s32 s2, s1  }
0x25: {  	s6 =	sand.u32 $0x80, s3;
	s3 =	sshrl.u32 s25, $0x3;
	s0 =	sor.u32 s0, s1  }
0x26: {  	s2 =	sxor.u32 $0xFFFFFFFF, s28;
	s24 =	sand.u32 $0x7, s3;
	s0 =	sor.u32 s6, s0  }
0x27: {  	s3 =	sand.u32 $0x7, s25;
	s1 =	sshll.u32 s27, $0xB;
	s0 =	sshrl.u32 s0, $0x4  }
0x28: {  	s7 =	sadd.s32 s7, s24;
	s2 =	sshll.u32 s2, $0xD;
	s0 =	sand.u32 $0x7F8, s0  }
0x29: {  	s3 =	sshll.u32 s3, $0x12;
	s2 =	sand.u32 $0x2000, s2;
	s6 =	sor.u32 s0, s1  }
0x2a: {  	s3 =	sor.u32 $0x8, s3;
	s6 =	sadd.s32 s6, s7;
	s7 =	rddreg [dreg:$0x4]  }
0x2b: {  	[tilespmem:s2], [sflag:$0x1] =	stream.strided.gather [hbm4b:s6+s3], $0x200, s23, s3, $0x38;
	[tilespmem:$0x8080] =	vst v63  }
0x2c: {  	s6 =	sadd.s32 s1, s7  }
0x2d: {  	s6 =	sadd.s32 s24, s6  }
0x2e: {  	s7 =	sor.u32 $0x200, s2;
	s6 =	sadd.s32 s0, s6  }
0x2f: {  	[tilespmem:s7], [sflag:$0x1] =	stream.strided.gather [hbm4b:s6+s3], $0x200, s23, s3, $0x38;
	[tilespmem:$0x8080] =	vst v63  }
0x30: {  	s7 =	rddreg [dreg:$0x5]  }
0x31: {  	s6 =	sadd.s32 s1, s7  }
0x32: {  	s6 =	sadd.s32 s24, s6  }
0x33: {  	s7 =	sor.u32 $0x400, s2;
	s6 =	sadd.s32 s0, s6  }
0x34: {  	[tilespmem:s7], [sflag:$0x1] =	stream.strided.gather [hbm4b:s6+s3], $0x200, s23, s3, $0x38;
	[tilespmem:$0x8080] =	vst v63  }
0x35: {  	s7 =	sadd.s32 s1, s8  }
0x36: {  	s6 =	sadd.s32 s24, s7  }
0x37: {  	s7 =	sor.u32 $0x600, s2;
	s6 =	sadd.s32 s0, s6  }
0x38: {  	[tilespmem:s7], [sflag:$0x1] =	stream.strided.gather [hbm4b:s6+s3], $0x200, s23, s3, $0x38;
	[tilespmem:$0x8080] =	vst v63  }
0x39: {  	s7 =	sadd.s32 s1, s9  }
0x3a: {  	s6 =	sadd.s32 s24, s7  }
0x3b: {  	s7 =	sor.u32 $0x800, s2;
	s6 =	sadd.s32 s0, s6  }
0x3c: {  	[tilespmem:s7], [sflag:$0x1] =	stream.strided.gather [hbm4b:s6+s3], $0x200, s23, s3, $0x38;
	[tilespmem:$0x8080] =	vst v63  }
0x3d: {  	s7 =	sadd.s32 s1, s10  }
0x3e: {  	s6 =	sadd.s32 s24, s7  }
0x3f: {  	s7 =	sor.u32 $0xA00, s2;
	s6 =	sadd.s32 s0, s6  }
0x40: {  	[tilespmem:s7], [sflag:$0x1] =	stream.strided.gather [hbm4b:s6+s3], $0x200, s23, s3, $0x38;
	[tilespmem:$0x8080] =	vst v63  }
0x41: {  	s7 =	sadd.s32 s1, s11  }
0x42: {  	s6 =	sadd.s32 s24, s7  }
0x43: {  	s7 =	sor.u32 $0xC00, s2;
	s6 =	sadd.s32 s0, s6  }
0x44: {  	[tilespmem:s7], [sflag:$0x1] =	stream.strided.gather [hbm4b:s6+s3], $0x200, s23, s3, $0x38;
	[tilespmem:$0x8080] =	vst v63  }
0x45: {  	s7 =	sadd.s32 s1, s12  }
0x46: {  	s6 =	sadd.s32 s24, s7  }
0x47: {  	s7 =	sor.u32 $0xE00, s2;
	s6 =	sadd.s32 s0, s6  }
0x48: {  	[tilespmem:s7], [sflag:$0x1] =	stream.strided.gather [hbm4b:s6+s3], $0x200, s23, s3, $0x38;
	[tilespmem:$0x8080] =	vst v63  }
0x49: {  	s7 =	sadd.s32 s1, s13  }
0x4a: {  	s6 =	sadd.s32 s24, s7  }
0x4b: {  	s7 =	sor.u32 $0x1000, s2;
	s6 =	sadd.s32 s0, s6  }
0x4c: {  	[tilespmem:s7], [sflag:$0x1] =	stream.strided.gather [hbm4b:s6+s3], $0x200, s23, s3, $0x38;
	[tilespmem:$0x8080] =	vst v63  }
0x4d: {  	s7 =	sadd.s32 s1, s14  }
0x4e: {  	s6 =	sadd.s32 s24, s7  }
0x4f: {  	s7 =	sor.u32 $0x1200, s2;
	s6 =	sadd.s32 s0, s6  }
0x50: {  	[tilespmem:s7], [sflag:$0x1] =	stream.strided.gather [hbm4b:s6+s3], $0x200, s23, s3, $0x38;
	[tilespmem:$0x8080] =	vst v63  }
0x51: {  	s7 =	sadd.s32 s1, s16  }
0x52: {  	s6 =	sadd.s32 s24, s7  }
0x53: {  	s7 =	sor.u32 $0x1400, s2;
	s6 =	sadd.s32 s0, s6  }
0x54: {  	[tilespmem:s7], [sflag:$0x1] =	stream.strided.gather [hbm4b:s6+s3], $0x200, s23, s3, $0x38;
	[tilespmem:$0x8080] =	vst v63  }
0x55: {  	s7 =	sadd.s32 s1, s17  }
0x56: {  	s6 =	sadd.s32 s24, s7  }
0x57: {  	s7 =	sor.u32 $0x1600, s2;
	s6 =	sadd.s32 s0, s6  }
0x58: {  	[tilespmem:s7], [sflag:$0x1] =	stream.strided.gather [hbm4b:s6+s3], $0x200, s23, s3, $0x38;
	[tilespmem:$0x8080] =	vst v63  }
0x59: {  	s7 =	sadd.s32 s1, s18  }
0x5a: {  	s6 =	sadd.s32 s24, s7  }
0x5b: {  	s7 =	sor.u32 $0x1800, s2;
	s6 =	sadd.s32 s0, s6  }
0x5c: {  	[tilespmem:s7], [sflag:$0x1] =	stream.strided.gather [hbm4b:s6+s3], $0x200, s23, s3, $0x38;
	[tilespmem:$0x8080] =	vst v63  }
0x5d: {  	s7 =	sadd.s32 s1, s19  }
0x5e: {  	s6 =	sadd.s32 s24, s7  }
0x5f: {  	s7 =	sor.u32 $0x1A00, s2;
	s6 =	sadd.s32 s0, s6  }
0x60: {  	[tilespmem:s7], [sflag:$0x1] =	stream.strided.gather [hbm4b:s6+s3], $0x200, s23, s3, $0x38;
	[tilespmem:$0x8080] =	vst v63  }
0x61: {  	s7 =	sadd.s32 s1, s20  }
0x62: {  	s1 =	sadd.s32 s1, s21;
	s6 =	sadd.s32 s24, s7  }
0x63: {  	s7 =	sor.u32 $0x1C00, s2;
	s1 =	sadd.s32 s24, s1;
	s6 =	sadd.s32 s0, s6  }
0x64: {  	[tilespmem:s7], [sflag:$0x1] =	stream.strided.gather [hbm4b:s6+s3], $0x200, s23, s3, $0x38;
	[tilespmem:$0x8080] =	vst v63  }
0x65: {  	s24 =	sor.u32 $0x1E00, s2;
	s0 =	sadd.s32 s0, s1  }
0x66: {  	[tilespmem:s24], [sflag:$0x1] =	stream.strided.gather [hbm4b:s0+s3], $0x200, s23, s3, $0x38;
	[tilespmem:$0x8080] =	vst v63  }
.LBB1_3:
0x67: {  	s0 =	sadd.s32 $0xFFFFFFFF, s28  }
0x68: {  	p1 =	sge.u32 s0, s15  }
.Ltmp3:
0x69: {  	_ = 	snop;
	(pc) =	sbr.rel @p1 .LBB1_9-.Ltmp3, $1  }
0x6a: {  	_ =	sdelay $0x3  }
0x6b: {  	s0 =	simm.s32 $0x1;
	s1 =	sand.u32 $0x1, s28  }
0x6c: {  	s0 =	simm.s32 @!p0 $0x0;
	s3 =	smul.u32 $0x8100, s1  }
0x6d: {  	_ =	swait.ge [sflag:s5], $0x2000;
	s2 =	smul.u32 $0x8100, s0  }
0x6e: {  	[sflag:s5] =	ssyncset.done $0x0;
	s1 =	sshll.u32 s0, $0xD  }
0x6f: {  	[sflag:s5] =	ssyncadd.s32 $0xFFFFE000;
	s24 =	sshrl.u32 s3, $0x2;
	s7 =	sshrl.u32 s2, $0x2  }
0x70: {  	s3 =	simm.s32 $0x0;
	s0 =	sor.u32 $0x4000, s24;
	s6 =	sor.u32 $0x4000, s7  }
.LBB1_5:
0x71: {  	v0 =	vld.msk [tilespmem:s1+$0x0], $0xff  }
0x72: {  	v1 =	vld.msk [tilespmem:s1+$0x0], vm0;
	_ =	sdelay $0x4  }
0x73: {  	s24 =	sadd.s32 $0x8, s1;
	v2 =	vperm.xlane.i2c.b16 v0;
	v3 =	vperm.xlane.i2c.b16 v1  }
0x74: {  	v0 =	vld.msk [tilespmem:s24+$0x0], $0xff  }
0x75: {  	v1 =	vld.msk [tilespmem:s24+$0x0], vm0;
	v4 =	vcombine.low v2, v3;
	_ =	sdelay $0x1  }
0x76: {  	s7 =	simm.s32 $0x2;
	s2 =	smov.u32 s6;
	v2 =	vcombine.high v2, v3;
	[tilespmem:s6+$0x0 ss:$0x81] =	vst.msk $0xf, v4  }
.LBB1_6:
0x77: {  	s7 =	sadd.s32 $0x2, s7  }
0x78: {  	s24 =	sadd.s32 $0x8, s24;
	[tilespmem:s2+$0x1 ss:$0x81] =	vst.msk $0xf, v2;
	s2 =	sadd.s32 $0x2, s2;
	p1 =	slt.u32 s7, $0x7E  }
.Ltmp4:
0x79: {  	v2 =	vperm.xlane.i2c.b16 v0;
	v0 =	vld.msk [tilespmem:s24+$0x0], $0xff;
	v3 =	vperm.xlane.i2c.b16 v1;
	(pc) =	sbr.rel @p1 .LBB1_6-.Ltmp4, $3  }
0x7a: {  	v1 =	vld.msk [tilespmem:s24+$0x0], vm0  }
0x7b: {  	v4 =	vcombine.low v2, v3;
	v2 =	vcombine.high v2, v3;
	_ =	sdelay $0x1  }
0x7c: {  	[tilespmem:s2+$0x0 ss:$0x81] =	vst.msk $0xf, v4  }
0x7d: {  	s3 =	sadd.s32 $0x1, s3  }
0x7e: {  	v0 =	vperm.xlane.i2c.b16 v0;
	v1 =	vperm.xlane.i2c.b16 v1;
	p1 =	sne.s32 s3, $0x10  }
.Ltmp5:
0x7f: {  	_ = 	snop;
	(pc) =	sbr.rel @p1 .LBB1_5-.Ltmp5, $4  }
0x80: {  	v3 =	vcombine.low v0, v1  }
0x81: {  	[tilespmem:s2+$0x1 ss:$0x81] =	vst.msk $0xf, v2;
	s24 =	sadd.s32 $0x2, s2;
	v0 =	vcombine.high v0, v1  }
0x82: {  	[tilespmem:s24+$0x0 ss:$0x81] =	vst.msk $0xf, v3  }
0x83: {  	s1 =	sadd.s32 $0x200, s1;
	s6 =	sadd.s32 $0x204, s6;
	[tilespmem:s24+$0x1 ss:$0x81] =	vst.msk $0xf, v0  }
0x84: {  	s1 =	sshll.u32 s30, $0x8;
	s2 =	sshll.u32 s29, $0x3  }
0x85: {  	s3 =	sshll.u32 s30, $0x7;
	s1 =	sand.u32 $0xFFFFF800, s1;
	s2 =	sand.u32 $0xFFFFFC00, s2  }
0x86: {  	s24 =	sand.u32 $0x300, s3;
	s1 =	sadd.s32 s2, s1  }
0x87: {  	s1 =	sor.u32 s24, s1  }
0x88: {  	s1 =	sshrl.u32 s1, $0x8  }
0x89: {  	s30 =	smulhi.u32 $0xAAAAAAB, s1  }
0x8a: {  	s31 =	smul.u32 $0x180, s31  }
0x8b: {  	s6 =	rddreg [dreg:$0x3];
	s2 =	smul.u32 $0x18, s30  }
.Ltmp6:
0x8c: {  	s7 =	sshrl.u32 s29, $0x3;
	s3 =	sadd.s32 s6, s31;
	(pc) =	sbr.rel .LBB1_9-.Ltmp6, $4  }
0x8d: {  	s24 =	sand.u32 $0x7, s29;
	s1 =	ssub.s32 s1, s2;
	s2 =	sand.u32 $0xF, s7  }
0x8e: {  	s29 =	sshll.u32 s24, $0x12;
	s1 =	sshll.u32 s1, $0x4;
	s2 =	sadd.s32 s2, s3  }
0x8f: {  	s31 =	simm.s32 $0xC00;
	s30 =	sor.u32 $0x200, s29;
	s1 =	sadd.s32 s1, s2  }
0x90: {  	[hbm4b:s1+s30] =	stream.strided.scatter [tilespmem:s0], [sflag:$0x2], $0x2000, s31, s30, $0x20;
	[tilespmem:$0x8080] =	vst v63  }
.LBB1_10:
0x91: {  	_ =	sfence.sel $0x180000  }
0x92: {  	s0 =	simm.s32 $0x1;
	[bflag:$0x0] =	sbarrier.arrive $0xFFFF  }
0x93: {  	s30 =	simm.s32 $0x2;
	[sflag:s0] =	ssyncpa.u1 $0x1  }
0x94: {  	[sflag:s30] =	ssyncpa.u1 $0x1  }
0x95: {  	_ =	strace $0x90000047  }
0x96: {  	s31 =	stileid.u32;
	[bflag:$0x2] =	sbarrier.arrive $0xFFFF  }
0x97: {  	p0 =	sne.s32 s31, $0x0;
	s0 =	rddreg [dreg:$0x1]  }
0x98: {  	s0 =	sadd.s32 @!p0 $0x100000, s0  }
0x99: {  	[sflag:s0] =	ssyncadd.tile.s32 @!p0 $0x1;
	_ =	shalt  }
.Lfunc_end1:
_tile_overlayer_lowered:
.L_overlay_start_2:
0x9a: {  	(tag) =	ssettag $0x2  }
0x9b: {  	s0 =	rddreg [dreg:$0x0];
	s2 =	stileid.u32  }
0x9c: {  	s1 =	rddreg [dreg:$0x1];
	p0 =	sne.s32 s2, $0x0  }
0x9d: {  	s3 =	rddreg [dreg:$0x2];
	[bflag:$0x3] =	sbarrier.arrive $0xFFFF;
	s2 =	simm.s32 @!p0 $0x1C01  }
0x9e: {  	[timem:s3], [sflag:s2] =	dma.local @!p0 [hbm:s0], s1  }
0x9f: {  	s0 =	simm.s32 @!p0 $0x1  }
0xa0: {  	_ =	swait.ge @!p0 [sflag:s0], s1  }
0xa1: {  	s1 =	ssub.s32 @!p0 $0x0, s1;
	[sflag:s0] =	ssyncset.done @!p0 $0x0  }
0xa2: {  	[sflag:s0] =	ssyncadd.s32 @!p0 s1  }
0xa3: {  	[bflag:$0x3] =	sbarrier.arrive $0xFFFF  }
0xa4: {  	_ =	shalt  }

</sc_bundles>
